<compile_context>
chip_gen: v7x
topology: tpu7x:2x2x1
jax: 0.10.2.dev20260603
libtpu: 0.0.44.dev20260713+nightly
codegen_flags: <defaults>
</compile_context>

<pallas_src>
import jax
import jax.numpy as jnp
from jax.experimental import pallas as pl

_B = 4096
_C = 1000
_K = 15
_DIM = 64
_N = _C * _K
_BB = 256


def _body(fs_ref, cct_ref, f_ref, sim_ref):
    fs = fs_ref[...]
    norm2 = jnp.sum(fs * fs, axis=1, keepdims=True)
    inv = jnp.minimum(jax.lax.rsqrt(norm2), 1e12)
    fhat = fs * inv
    f_ref[...] = fhat
    sim_ref[...] = jnp.dot(fhat, cct_ref[...], preferred_element_type=jnp.float32)


def kernel(feats, labels, cluster_center):
    del labels
    fs = feats.reshape(_B, _DIM)
    cct = cluster_center.reshape(_N, _DIM).T

    f_out, sim = pl.pallas_call(
        _body,
        grid=(_B // _BB,),
        in_specs=[
            pl.BlockSpec((_BB, _DIM), lambda i: (i, 0)),
            pl.BlockSpec((_DIM, _N), lambda i: (0, 0)),
        ],
        out_specs=[
            pl.BlockSpec((_BB, _DIM), lambda i: (i, 0)),
            pl.BlockSpec((_BB, _N), lambda i: (i, 0)),
        ],
        out_shape=[
            jax.ShapeDtypeStruct((_B, _DIM), jnp.float32),
            jax.ShapeDtypeStruct((_B, _N), jnp.float32),
        ],
    )(fs, cct)

    return f_out.reshape(_B, 1, _DIM), sim.reshape(_B, _C, _K)

# --- scband reference (transcript-rebuilt; emitter-appended) ---
"""Pipeline reference for scband-ncc-lvq21-57045755625778 (READ-ONLY COPY).

The authoritative reference and input builder live on the scoring server;
editing this copy changes nothing except your own understanding.
"""

import jax, jax.numpy as jnp
import numpy as np

B = 4096
NUM_CLASSES = 1000
K = 15
DIM = 64


def setup_inputs(seed: int = 0) -> dict:
    key = jax.random.key(seed)
    k1, k2, k3 = jax.random.split(key, 3)
    feats = jax.random.normal(k1, (B, DIM, 1), dtype=jnp.float32)
    labels = jax.random.randint(k2, (B,), 0, NUM_CLASSES, dtype=jnp.int32)
    cluster_center = jax.random.normal(k3, (NUM_CLASSES, K, DIM), dtype=jnp.float32)
    cc_norm = jnp.linalg.norm(cluster_center, axis=2, keepdims=True)
    cluster_center = cluster_center / jnp.maximum(cc_norm, 1e-12)
    return {"feats": feats, "labels": labels, "cluster_center": cluster_center}


def reference(feats, labels, cluster_center):
    # forward pass of NCC_LVQ21 (inference path: no in-place buffer updates,
    # since those only run when feats.requires_grad)
    batch_size = feats.shape[0]
    labels = labels.astype(jnp.int32).reshape(batch_size, -1)  # labels.long().view(B,-1)
    # feats.permute(0, 2, 1) then view(B, -1, last_dim)
    f = jnp.transpose(feats, (0, 2, 1))
    f = f.reshape(batch_size, -1, f.shape[-1])  # [B, L, DIM], here L == 1
    # F.normalize(feats, p=2, dim=2) with eps=1e-12
    f_norm = jnp.linalg.norm(f, axis=2, keepdims=True)
    f = f / jnp.maximum(f_norm, 1e-12)
    # CosineSimilarity(dim=3) between f expanded to [B, C, K, D] and
    # cluster_center expanded to [B, C, K, D]. L == 1 so f broadcasts over (C, K).
    fs = f[:, 0, :]  # [B, D]
    cc_flat = cluster_center.reshape(NUM_CLASSES * K, DIM)  # [C*K, D]
    dot = fs @ cc_flat.T  # [B, C*K]
    dot = dot.reshape(batch_size, NUM_CLASSES, K)
    nf = jnp.linalg.norm(fs, axis=1)[:, None, None]  # [B, 1, 1]
    nc = jnp.linalg.norm(cluster_center, axis=2)[None, :, :]  # [1, C, K]
    cosine_sim = dot / jnp.maximum(nf * nc, 1e-8)
    return (f, cosine_sim)

if __name__ == "__main__":
    import jax
    _d = setup_inputs()
    print(jax.jit(kernel)(*tuple(_d.values())))

</pallas_src>

<mosaic_0001>
module attributes {stable_mosaic.version = 14 : i64} {
  func.func @_body(%arg0: i32, %arg1: memref<256x64xf32, #tpu.memory_space<vmem>>, %arg2: memref<64x15000xf32, #tpu.memory_space<vmem>>, %arg3: memref<256x64xf32, #tpu.memory_space<vmem>>, %arg4: memref<256x15000xf32, #tpu.memory_space<vmem>>) attributes {dimension_semantics = [#tpu.dimension_semantics<arbitrary>], iteration_bounds = array<i64: 16>, scalar_prefetch = 0 : i64, scratch_operands = 0 : i64, tpu.core_type = #tpu.core_type<tc>, window_params = [{transform_indices = @transform_0, window_bounds = array<i64: 256, 64>}, {pipeline_mode = #tpu.pipeline_mode<synchronous>, transform_indices = @transform_1, window_bounds = array<i64: 64, 15000>}, {transform_indices = @transform_2, window_bounds = array<i64: 256, 64>}, {transform_indices = @transform_3, window_bounds = array<i64: 256, 15000>}]} {
    %get3A = arith.constant 0 : index
    %get3A_0 = arith.constant 0 : index
    %get3A_1 = vector.load %arg1[%get3A, %get3A_0] : memref<256x64xf32, #tpu.memory_space<vmem>>, vector<256x64xf32>
    %mul3A = arith.mulf %get3A_1, %get3A_1 : vector<256x64xf32>
    %reduce_sum3A = arith.constant dense<0.000000e+00> : vector<256xf32>
    %reduce_sum3A_2 = vector.multi_reduction <add>, %mul3A, %reduce_sum3A [1] : vector<256x64xf32> to vector<256xf32>
    %broadcast_in_dim3A = vector.shape_cast %reduce_sum3A_2 : vector<256xf32> to vector<256x1xf32>
    %rsqrt3A = math.rsqrt %broadcast_in_dim3A : vector<256x1xf32>
    %min3A = arith.constant 9.99999995E+11 : f32
    %min3A_3 = vector.broadcast %min3A : f32 to vector<256x1xf32>
    %min3A_4 = arith.minimumf %rsqrt3A, %min3A_3 : vector<256x1xf32>
    %mul3A_5 = vector.broadcast %min3A_4 : vector<256x1xf32> to vector<256x64xf32>
    %mul3A_6 = arith.mulf %get3A_1, %mul3A_5 : vector<256x64xf32>
    %swap3A = arith.constant 0 : index
    %swap3A_7 = arith.constant 0 : index
    %swap3A_8 = vector.load %arg3[%swap3A, %swap3A_7] : memref<256x64xf32, #tpu.memory_space<vmem>>, vector<256x64xf32>
    tpu.vector_store %arg3[%swap3A, %swap3A_7], %mul3A_6 {strides = array<i32>} : memref<256x64xf32, #tpu.memory_space<vmem>>, vector<256x64xf32>,
    %get3A_9 = arith.constant 0 : index
    %get3A_10 = arith.constant 0 : index
    %get3A_11 = vector.load %arg2[%get3A_9, %get3A_10] : memref<64x15000xf32, #tpu.memory_space<vmem>>, vector<64x15000xf32>
    %dot_general3A = arith.constant dense<0.000000e+00> : vector<256x15000xf32>
    %dot_general3A_12 = tpu.matmul %mul3A_6, %get3A_11, %dot_general3A {dimension_numbers = #tpu.dot_dimension_numbers<[1], [0], [0], [1], [0, 0, 1, 1], [], []>, transpose_lhs_hint = false} : vector<256x64xf32>, vector<64x15000xf32>, vector<256x15000xf32> -> vector<256x15000xf32>
    %swap3A_13 = arith.constant 0 : index
    %swap3A_14 = arith.constant 0 : index
    %swap3A_15 = vector.load %arg4[%swap3A_13, %swap3A_14] : memref<256x15000xf32, #tpu.memory_space<vmem>>, vector<256x15000xf32>
    tpu.vector_store %arg4[%swap3A_13, %swap3A_14], %dot_general3A_12 {strides = array<i32>} : memref<256x15000xf32, #tpu.memory_space<vmem>>, vector<256x15000xf32>,
    return
  }
  func.func @transform_0(%arg0: i32) -> (i32, i32) {
    %c0_i32 = arith.constant 0 : i32
    %c0_i32_0 = arith.constant 0 : i32
    return %arg0, %c0_i32 : i32, i32
  }
  func.func @transform_1(%arg0: i32) -> (i32, i32) {
    %c0_i32 = arith.constant 0 : i32
    %c0_i32_0 = arith.constant 0 : i32
    %c0_i32_1 = arith.constant 0 : i32
    return %c0_i32, %c0_i32_0 : i32, i32
  }
  func.func @transform_2(%arg0: i32) -> (i32, i32) {
    %c0_i32 = arith.constant 0 : i32
    %c0_i32_0 = arith.constant 0 : i32
    return %arg0, %c0_i32 : i32, i32
  }
  func.func @transform_3(%arg0: i32) -> (i32, i32) {
    %c0_i32 = arith.constant 0 : i32
    %c0_i32_0 = arith.constant 0 : i32
    return %arg0, %c0_i32 : i32, i32
  }
}

</mosaic_0001>

<sc_bundles>
// kernel: sparse-core-data-format-call.cloned.1.call-start
scs
called_computation_lowered:
.L_overlay_start_0:
0x0: {  	s2 =	sld [smem:$0x3FD9]  }
0x1: {  	s3 =	sld [smem:$0x3FFE];
	_ =	sdelay $0x1  }
0x2: {  	s1 =	srdreg.scid  }
0x3: {  	s0 =	sand.u32 $0x1, s1  }
0x4: {  	s15 =	sshll.u32 s0, $0xA;
	s2 =	sadd.s32 s3, s2  }
0x5: {  	s2 =	sadd.s32 s2, s15  }
0x6: {  	[smem:$0x3FC6] =	sst s2  }
0x7: {  	_ = 	snop  }
0x8: {  	s2 =	sld [smem:$0x3FD0];
	_ =	sdelay $0x2  }
0x9: {  	s16 =	simm.s32 $0xA;
	s4 =	simm.s32 $0x10  }
0xa: {  	[smem:s4], [sflag:s16] =	dma.local [hbm:s2], $0x1  }
0xb: {  	_ =	swait.eq [sflag:s16], $0x1  }
0xc: {  	[sflag:s16] =	ssyncset.done $0x0  }
0xd: {  	[sflag:s16] =	ssyncadd.s32 $0xFFFFFFFF  }
0xe: {  	s17 =	sld [smem:$0x11];
	(tm) =	ssettm $0x1  }
0xf: {  	s18 =	sld [smem:$0x3FFB];
	_ =	sdelay $0x3  }
0x10: {  	_ =	strace s18  }
0x11: {  	s3 =	sld [smem:$0x3FFC];
	_ =	sdelay $0x3  }
0x12: {  	_ =	strace s3  }
0x13: {  	s3 =	sld [smem:$0x3FFD];
	_ =	sdelay $0x3  }
0x14: {  	_ =	strace s3  }
0x15: {  	_ =	strace $0x8FFFFFFF  }
0x16: {  	s19 =	sld [smem:$0x3FDB];
	_ =	sdelay $0x1  }
0x17: {  	s20 =	simm.s32 $_scs_section_size  }
0x18: {  	s5 =	simm.s32 $_size__tile_overlayer_lowered;
	s6 =	simm.s32 $_tile_overlayer_lowered  }
0x19: {  	s23 =	simm.s32 $0x1BFF;
	s22 =	sshll.u32 s6, $0x1;
	s3 =	sadd.s32 s20, s19  }
0x1a: {  	s7 =	simm.s32 $0x0;
	s21 =	sshll.u32 s5, $0x1;
	s5 =	sadd.s32 s22, s3  }
0x1b: {  	[timem:s7], [sflag:s23] =	dma.local [hbm:s5], s21  }
0x1c: {  	_ =	swait.ge [sflag:s23], s21  }
0x1d: {  	s4 =	ssub.s32 $0x0, s21;
	[sflag:s23] =	ssyncset.done $0x0  }
0x1e: {  	[sflag:s23] =	ssyncadd.s32 s4;
	_ =	sdelay $0x1  }
0x1f: {  	s24 =	simm.s32 $0x1B8B  }
0x20: {  	_ =	swait.ge [sflag:s24], $0x1  }
0x21: {  	[sflag:s24] =	ssyncset.done $0x0  }
0x22: {  	s26 =	simm.s32 $0x1B8E;
	s25 =	sld [smem:$0x3FFE];
	[sflag:s24] =	ssyncadd.s32 $0xFFFFFFFF  }
0x23: {  	s27 =	simm.s32 $execute0_lowered;
	[smem:$0x3FD2] =	sst s26  }
0x24: {  	s5 =	sshll.u32 s27, $0x1;
	_ =	strace $0x80000046;
	[dreg:$0x1] =	wrdreg $0xFFFFFFFF  }
0x25: {  	s28 =	simm.s32 $_size_execute0_lowered;
	s3 =	sadd.s32 s3, s5;
	[dreg:$0x0] =	wrdreg $0x0  }
0x26: {  	s5 =	sshll.u32 s28, $0x1;
	[dreg:$0x2] =	wrdreg s3  }
0x27: {  	[dreg:$0x3] =	wrdreg s5  }
0x28: {  	[dreg:$0x4] =	wrdreg $0xC0  }
0x29: {  	_ =	task [dreg:s7], $0x5FFFF  }
0x2a: {  	[dreg:$0x1] =	wrdreg $0xFFFFFFFF  }
0x2b: {  	[dreg:$0x0] =	wrdreg $0x60  }
0x2c: {  	[dreg:$0x2] =	wrdreg s25  }
0x2d: {  	[dreg:$0x3] =	wrdreg s17  }
0x2e: {  	[dreg:$0x4] =	wrdreg $0x9  }
0x2f: {  	_ =	task.clear_ibuf [dreg:s7], $0x5FFFF;
	_ =	strace $0x90000046  }
0x30: {  	s29 =	simm.s32 $0x9;
	_ =	strace $0x80000048  }
0x31: {  	_ =	swait.ge [sflag:s29], $0x1  }
0x32: {  	[sflag:s29] =	ssyncadd.s32 $0xFFFFFFFF  }
0x33: {  	_ =	strace $0x90000048  }
0x34: {  	_ =	sfence  }
0x35: {  	s30 =	sld [smem:$0x0];
	_ =	sdelay $0x2  }
0x36: {  	s31 =	sshll.u32 s1, $0xD;
	s1 =	sshrl.u32 s1, $0x2  }
0x37: {  	s3 =	sand.u32 $0x4000, s31;
	s1 =	sadd.s32 s1, s30  }
0x38: {  	s0 =	sor.u32 s3, s0;
	s1 =	sshll.u32 s1, $0x11  }
0x39: {  	s0 =	sor.u32 s1, s0  }
0x3a: {  	s0 =	sadd.s32 $0x8F2B, s0  }
0x3b: {  	[sflag:s0] =	ssyncadd.remote.s32 $0x1  }
0x3c: {  	_ =	sfence.sel $0xFFFF  }
0x3d: {  	[dreg:$0x0] =	wrdreg $0xFFFFFFFF;
	(pc) =	sbr.abs _section_cstart, $3  }
0x3e: {  	[dreg:$0x1] =	wrdreg $0xFFFFFFFF  }
0x3f: {  	_ =	task.clear_ibuf [dreg:s7], $0x2FFFF;
	_ =	strace $0x9FFFFFFF  }
0x40: {  	(tm) =	ssettm $0x7FFFFFFF  }
0x41: {  	_ =	shalt  }
tec
execute0_lowered:
.L_overlay_start_1:
0x0: {  	(tag) =	ssettag $0x1  }
0x1: {  	s3 =	stileid.u32  }
0x2: {  	s0 =	srdreg.scid;
	s28 =	rddreg [dreg:$0x0];
	_ =	strace $0x80000047  }
0x3: {  	s29 =	simm.s32 $0x1;
	s1 =	sshll.u32 s3, $0x4;
	s0 =	sshll.u32 s0, $0x8  }
0x4: {  	s31 =	simm.s32 $0x2;
	s17 =	simm.s32 $0x0;
	s0 =	sor.u32 s1, s0  }
0x5: {  	s19 =	simm.s32 $0x0;
	s18 =	simm.s32 $0x0;
	s6 =	sand.u32 $0x180, s0  }
0x6: {  	s10 =	simm.s32 $0x0;
	s11 =	simm.s32 $0x0;
	s0 =	ssub.s32 $0x1000, s6  }
0x7: {  	s13 =	simm.s32 $0x0;
	s7 =	sadd.s32 $0x770A00, s28;
	s2 =	sand.u32 $0x180, s0  }
0x8: {  	s30 =	sshll.u32 s3, $0x7;
	p0 =	sne.s32 s2, $0x0;
	s2 =	simm.s32 $0x1  }
0x9: {  	s9 =	sand.u32 $0x380, s30;
	s0 =	sshrl.u32 s0, $0x9;
	s2 =	simm.s32 @!p0 $0x0  }
.Ltmp0:
0xa: {  	[dreg:$0x4] =	wrdreg s7;
	s0 =	sadd.s32 s2, s0;
	(pc) =	sbr.rel .LBB1_1-.Ltmp0, $4  }
0xb: {  	s14 =	simm.s32 $0x0;
	[dreg:$0x6] =	wrdreg s9;
	s8 =	smul.u32 $0xF, s0  }
0xc: {  	s16 =	simm.s32 $0x0;
	[sflag:s29] =	ssyncpa.u1 $0x0;
	[dreg:$0x3] =	wrdreg s6  }
0xd: {  	[sflag:s31] =	ssyncpa.u1 $0x0;
	s20 =	sadd.s32 $0x1, s8;
	[dreg:$0x5] =	wrdreg s8  }
0xe: {  	s15 =	smov.u32 s9;
	s12 =	smov.u32 s6;
	[dreg:$0x7] =	wrdreg s20  }
.LBB1_14:
0xf: {  	p0 =	sgt.s32 s11, $0xE;
	s0 =	smov.u32 s11;
	s1 =	sshll.u32 s13, $0xC  }
0x10: {  	s2 =	sshll.u32 s10, $0x3;
	s4 =	sshll.u32 s13, $0x7;
	s5 =	sand.u32 $0x78, s10  }
0x11: {  	s25 =	smul.u32 $0x7D000, s11;
	s26 =	rddreg [dreg:$0x1];
	s27 =	sand.u32 $0x7, s10  }
0x12: {  	s29 =	sor.u32 $0x8000, s23;
	s31 =	simm.s32 $0x8000;
	s0 =	simm.s32 @!p0 $0xE  }
0x13: {  	s6 =	rddreg [dreg:$0x3];
	s1 =	sand.u32 $0xFFFF8000, s1;
	s0 =	sadd.s32 s22, s0  }
0x14: {  	s7 =	rddreg [dreg:$0x4];
	s1 =	sadd.s32 s1, s2;
	s3 =	sadd.s32 $0xFFFFFFF2, s0  }
0x15: {  	s1 =	sshrl.u32 s1, $0xC;
	s0 =	ssub.s32 $0xF, s0;
	p0 =	sgt.s32 s3, $0x0  }
0x16: {  	s4 =	sand.u32 $0x380, s4;
	s24 =	smulhi.u32 $0x418938, s1;
	s0 =	simm.s32 @p0 $0x0  }
0x17: {  	s2 =	sand.u32 $0xC00, s2;
	s4 =	sor.u32 s4, s5;
	s0 =	smul.u32 s20, s0  }
0x18: {  	s8 =	rddreg [dreg:$0x5];
	s2 =	sor.u32 s2, s4;
	s3 =	smul.u32 $0x3E8, s24  }
0x19: {  	s9 =	rddreg [dreg:$0x6];
	s28 =	sshll.u32 s27, $0x12;
	s2 =	sshrl.u32 s2, $0x3  }
0x1a: {  	s0 =	smul.u32 s21, s0;
	s1 =	ssub.s32 s1, s3;
	s3 =	sadd.s32 s26, s25  }
0x1b: {  	s30 =	sor.u32 $0x400, s28;
	s1 =	sshll.u32 s1, $0x9;
	s2 =	sadd.s32 s2, s3  }
0x1c: {  	s20 =	rddreg [dreg:$0x7];
	s0 =	sand.u32 $0x3FFFFFFF, s0;
	s1 =	sadd.s32 s1, s2  }
0x1d: {  	[hbm4b:s1+s30] =	stream.strided.scatter [tilespmem:s29], [sflag:$0x2], s0, s31, s30, $0x38;
	[tilespmem:$0x10000] =	vst v63  }
.LBB1_15:
0x1e: {  	p0 =	slt.u32 s16, $0x2  }
0x1f: {  	p1 =	sgt.s32 @!p0 s19, $0xE  }
0x20: {  	s0 =	smov.u32 s19;
	s1 =	sshra.s32 @!p0 s19, $0x1F;
	p1 =	por !p1, p0  }
0x21: {  	s1 =	sand.u32 @!p0 s1, s19;
	s0 =	simm.s32 @p1 $0xE;
	p1 =	sgt.s32 @!p0 s18, $0x368  }
0x22: {  	s2 =	smov.u32 s18;
	s0 =	ssub.s32 @!p0 s0, s1;
	p1 =	por !p1, p0  }
0x23: {  	s3 =	sshra.s32 @!p0 s18, $0x1F;
	s1 =	sadd.s32 @!p0 $0xFFFFFFF2, s0;
	s2 =	simm.s32 @p1 $0x368  }
0x24: {  	p1 =	sgt.s32 @!p0 s17, $0xF80;
	p2 =	sgt.s32 @!p0 s1, $0x0;
	s1 =	sand.u32 @!p0 s3, s18  }
0x25: {  	s0 =	ssub.s32 @!p0 $0xF, s0;
	p1 =	por !p1, p0;
	s1 =	ssub.s32 @!p0 s2, s1  }
0x26: {  	s3 =	smov.u32 s17;
	p2 =	por !p2, p0;
	s2 =	sadd.s32 @!p0 $0xFFFFFC98, s1  }
0x27: {  	s3 =	simm.s32 @p1 $0xF80;
	p1 =	sgt.s32 @!p0 s2, $0x7F;
	s2 =	sshra.s32 @!p0 s17, $0x1F  }
0x28: {  	s1 =	ssub.s32 @!p0 $0x3E8, s1;
	p1 =	por !p1, p0;
	s2 =	sand.u32 @!p0 s2, s17  }
0x29: {  	s0 =	simm.s32 @!p2 $0x0;
	s1 =	simm.s32 @!p1 $0x0;
	s2 =	ssub.s32 @!p0 s3, s2  }
0x2a: {  	s0 =	smul.u32 @!p0 s1, s0;
	s1 =	sadd.s32 @!p0 $0xFFFFF080, s2  }
0x2b: {  	p1 =	sgt.s32 @!p0 s1, $0x7F;
	s1 =	ssub.s32 @!p0 $0x1000, s2;
	s2 =	sadd.s32 $0x200, s12  }
0x2c: {  	s3 =	simm.s32 $0x1;
	p1 =	por !p1, p0;
	p2 =	sgt.s32 s2, $0xFFF  }
0x2d: {  	s1 =	simm.s32 @!p1 $0x0;
	s3 =	simm.s32 @!p2 $0x0  }
0x2e: {  	s0 =	smul.u32 @!p0 s1, s0;
	s1 =	sadd.s32 s3, s14  }
0x2f: {  	s4 =	smov.u32 s15;
	s3 =	sadd.s32 $0x400, s15;
	p1 =	sgt.s32 s1, $0xE  }
0x30: {  	s19 =	smov.u32 s11;
	s4 =	smov.u32 @p1 s3  }
0x31: {  	s11 =	smov.u32 s14;
	s1 =	simm.s32 @p1 $0x0;
	p1 =	sgt.s32 s4, $0x3E7  }
0x32: {  	s18 =	smov.u32 s13;
	s4 =	smov.u32 @p1 s9;
	p1 =	sne.s32 s16, s20  }
.Ltmp1:
0x33: {  	s13 =	smov.u32 s15;
	s17 =	smov.u32 s10;
	(pc) =	sbr.rel @!p1 .LBB1_16-.Ltmp1, $4  }
0x34: {  	s2 =	smov.u32 @p2 s6;
	s0 =	sand.u32 @!p0 $0x3FFFFFFF, s0;
	s3 =	simm.s32 @!p0 $0x2  }
0x35: {  	s10 =	smov.u32 s12;
	s12 =	smov.u32 s2;
	_ =	swait.ge @!p0 [sflag:s3], s0  }
0x36: {  	s0 =	ssub.s32 @!p0 $0x0, s0;
	s14 =	smov.u32 s1;
	[sflag:s3] =	ssyncset.done @!p0 $0x0  }
0x37: {  	s16 =	sadd.s32 $0x1, s16;
	[sflag:s3] =	ssyncadd.s32 @!p0 s0;
	s15 =	smov.u32 s4  }
.LBB1_1:
0x38: {  	p0 =	sge.u32 s16, s8  }
0x39: {  	p1 =	sgt.s32 @!p0 s15, $0x368  }
0x3a: {  	s0 =	smov.u32 s15;
	s1 =	sshra.s32 @!p0 s15, $0x1F;
	p1 =	por !p1, p0  }
0x3b: {  	s2 =	smov.u32 s14;
	s1 =	sand.u32 @!p0 s1, s15;
	s0 =	simm.s32 @p1 $0x368  }
0x3c: {  	s4 =	smov.u32 s12;
	p1 =	sgt.s32 @!p0 s14, $0xF;
	s0 =	ssub.s32 @!p0 s0, s1  }
0x3d: {  	s31 =	sadd.s32 $0xFFFFFFFF, s16;
	p1 =	por !p1, p0;
	s1 =	sadd.s32 @!p0 $0xFFFFFC98, s0  }
0x3e: {  	s2 =	simm.s32 @p1 $0xF;
	p1 =	sgt.s32 @!p0 s1, $0x7F;
	s1 =	sshra.s32 @!p0 s14, $0x1F  }
0x3f: {  	s0 =	ssub.s32 @!p0 $0x3E8, s0;
	p1 =	por !p1, p0;
	s1 =	sand.u32 @!p0 s1, s14  }
0x40: {  	s0 =	simm.s32 @!p1 $0x0;
	s1 =	ssub.s32 @!p0 s2, s1;
	p1 =	sgt.s32 @!p0 s12, $0xF80  }
0x41: {  	s5 =	sshll.u32 @!p0 s14, $0xC;
	s3 =	sadd.s32 @!p0 $0xFFFFFFF1, s1;
	p1 =	por !p1, p0  }
0x42: {  	s4 =	simm.s32 @p1 $0xF80;
	p1 =	sgt.s32 @!p0 s3, $0x0;
	s3 =	sshra.s32 @!p0 s12, $0x1F  }
0x43: {  	s1 =	ssub.s32 @!p0 $0x10, s1;
	p1 =	por !p1, p0;
	s3 =	sand.u32 @!p0 s3, s12  }
0x44: {  	s2 =	sxor.u32 @!p0 $0xFFFFFFFF, s16;
	s1 =	simm.s32 @!p1 $0x0;
	s3 =	ssub.s32 @!p0 s4, s3  }
0x45: {  	s2 =	sshll.u32 @!p0 s2, $0xE;
	s0 =	smul.u32 @!p0 s0, s1;
	s1 =	sadd.s32 @!p0 $0xFFFFF080, s3  }
0x46: {  	s5 =	sand.u32 @!p0 $0x8000, s5;
	s2 =	sand.u32 @!p0 $0x4000, s2;
	p1 =	sgt.s32 @!p0 s1, $0x7F  }
0x47: {  	s3 =	ssub.s32 @!p0 $0x1000, s3;
	s1 =	sshll.u32 @!p0 s14, $0x7;
	p1 =	por !p1, p0  }
0x48: {  	s4 =	sand.u32 @!p0 $0x78, s12;
	s1 =	sand.u32 @!p0 $0x380, s1;
	s3 =	simm.s32 @!p1 $0x0  }
0x49: {  	s1 =	sor.u32 @!p0 s1, s4;
	s4 =	sshll.u32 @!p0 s12, $0x3;
	s0 =	smul.u32 @!p0 s3, s0  }
0x4a: {  	s3 =	sand.u32 @!p0 $0xC00, s4;
	s4 =	sadd.s32 @!p0 s5, s4;
	s5 =	sand.u32 @!p0 $0x7, s12  }
0x4b: {  	s1 =	sor.u32 @!p0 s3, s1;
	s3 =	sshll.u32 @!p0 s15, $0xD;
	s4 =	sshrl.u32 @!p0 s4, $0x3  }
0x4c: {  	s0 =	sand.u32 @!p0 $0x3FFFFFFF, s0;
	s4 =	sand.u32 @!p0 $0x1E00, s4;
	s3 =	sadd.s32 @!p0 s7, s3  }
0x4d: {  	s1 =	sshrl.u32 @!p0 s1, $0x3;
	s3 =	sadd.s32 @!p0 s4, s3;
	s4 =	sshll.u32 @!p0 s5, $0x12  }
0x4e: {  	s1 =	sadd.s32 @!p0 s1, s3;
	s3 =	sor.u32 @!p0 $0x80, s4;
	s4 =	simm.s32 @!p0 $0x10000  }
0x4f: {  	[tilespmem:s2], [sflag:$0x1] =	stream.strided.gather @!p0 [hbm4b:s1+s3], s0, s4, s3, $0x38;
	[tilespmem:$0x10000] =	vst v63  }
0x50: {  	p0 =	sge.u32 s31, s8  }
.Ltmp2:
0x51: {  	_ = 	snop;
	(pc) =	sbr.rel @p0 .LBB1_15-.Ltmp2, $1  }
0x52: {  	_ =	sdelay $0x3  }
0x53: {  	p0 =	sgt.s32 s13, $0x368;
	s0 =	smov.u32 s13  }
0x54: {  	s1 =	sshra.s32 s13, $0x1F;
	s23 =	ssub.s32 $0x0, s11;
	s2 =	sshra.s32 s11, $0x1F  }
0x55: {  	p1 =	sgt.s32 s10, $0xF80;
	s3 =	smov.u32 s10;
	s4 =	sshra.s32 s10, $0x1F  }
0x56: {  	s5 =	smov.u32 s11;
	s0 =	simm.s32 @!p0 $0x368;
	s1 =	sand.u32 s1, s13  }
0x57: {  	s3 =	simm.s32 @!p1 $0xF80;
	p1 =	sgt.s32 s11, $0xF;
	s4 =	sand.u32 s4, s10  }
0x58: {  	s22 =	sand.u32 s23, s2;
	s2 =	sadd.s32 $0x80, s13;
	s0 =	ssub.s32 s0, s1  }
0x59: {  	s5 =	simm.s32 @!p1 $0xF;
	s24 =	ssub.s32 s3, s4;
	s3 =	sadd.s32 $0x1, s11  }
0x5a: {  	s1 =	sadd.s32 $0xFFFFFC98, s0;
	s20 =	ssub.s32 $0x3E8, s0;
	s25 =	sadd.s32 s22, s5  }
0x5b: {  	s26 =	sadd.s32 $0xFFFFF080, s24;
	p0 =	sgt.s32 s1, $0x7F;
	s27 =	sadd.s32 $0xFFFFFFF1, s25  }
0x5c: {  	s0 =	ssub.s32 $0x10, s25;
	s20 =	simm.s32 @p0 $0x0;
	p0 =	sgt.s32 s27, $0x0  }
0x5d: {  	s21 =	ssub.s32 $0x1000, s24;
	s0 =	simm.s32 @p0 $0x0;
	p0 =	slt.s32 s2, $0x3E8  }
0x5e: {  	p1 =	sgt.s32 s26, $0x7F;
	s2 =	simm.s32 @!p0 $0x3E8;
	p0 =	slt.s32 s3, $0xF  }
0x5f: {  	s21 =	simm.s32 @p1 $0x0;
	s24 =	ssub.s32 s2, s13;
	s3 =	simm.s32 @!p0 $0xF  }
0x60: {  	s28 =	smul.u32 s20, s21;
	s25 =	ssub.s32 s3, s11;
	p0 =	slt.s32 s24, $0x1  }
0x61: {  	p1 =	slt.s32 @!p0 s25, $0x1  }
0x62: {  	s0 =	smul.u32 s0, s28;
	p1 =	por p0, p1  }
.Ltmp3:
0x63: {  	_ = 	snop;
	(pc) =	sbr.rel @p1 .LBB1_14-.Ltmp3, $4  }
0x64: {  	s30 =	simm.s32 $0x1;
	s0 =	sand.u32 $0x3FFFFFFF, s0  }
0x65: {  	_ =	swait.ge [sflag:s30], s0  }
0x66: {  	s31 =	sshll.u32 s16, $0xE;
	s29 =	ssub.s32 $0x0, s0;
	[sflag:s30] =	ssyncset.done $0x0  }
0x67: {  	s23 =	sand.u32 $0x4000, s31;
	[sflag:s30] =	ssyncadd.s32 s29  }
0x68: {  	s0 =	sadd.s32 $0x80, s10  }
0x69: {  	p1 =	slt.s32 s0, $0x1000  }
.Ltmp4:
0x6a: {  	s0 =	simm.s32 @!p1 $0x1000;
	(pc) =	sbr.rel .LBB1_4-.Ltmp4, $4  }
0x6b: {  	s28 =	sor.u32 @!p0 $0x8000, s23;
	s0 =	ssub.s32 s0, s10  }
0x6c: {  	s30 =	simm.s32 $0x0;
	s7 =	simm.s32 $0x400;
	s0 =	sadd.s32 $0xF, s0  }
0x6d: {  	s26 =	sand.u32 $0xFFFFFFF0, s0;
	s27 =	sand.u32 @!p0 $0xFFFFFF00, s0;
	s1 =	sshll.u32 s0, $0x3  }
0x6e: {  	p0 =	slt.s32 s0, $0x100;
	s29 =	sand.u32 $0xFFFFF800, s1;
	p1 =	sge.s32 s27, s26  }
.LBB1_13:
0x6f: {  	s30 =	sadd.s32 $0x1, s30  }
0x70: {  	p2 =	sne.s32 s30, s24  }
.Ltmp5:
0x71: {  	_ = 	snop;
	(pc) =	sbr.rel @!p2 .LBB1_14-.Ltmp5, $2  }
0x72: {  	_ =	sdelay $0x2  }
0x73: {  	s7 =	sadd.s32 $0x80, s7  }
.LBB1_4:
.Ltmp6:
0x74: {  	(pc) =	sbr.rel .LBB1_5-.Ltmp6, $4  }
0x75: {  	_ = 	snop  }
0x76: {  	s1 =	sshll.u32 s30, $0x7  }
0x77: {  	s2 =	sand.u32 $0x380, s1  }
0x78: {  	s9 =	simm.s32 $0x0;
	s0 =	sadd.s32 s1, s23;
	s3 =	sadd.s32 s2, s28  }
.LBB1_12:
0x79: {  	s9 =	sadd.s32 $0x1, s9  }
0x7a: {  	p2 =	sne.s32 s9, s25  }
.Ltmp7:
0x7b: {  	_ = 	snop;
	(pc) =	sbr.rel @!p2 .LBB1_13-.Ltmp7, $1  }
0x7c: {  	_ =	sdelay $0x3  }
.LBB1_5:
.Ltmp8:
0x7d: {  	(pc) =	sbr.rel @p0 .LBB1_9-.Ltmp8, $2  }
0x7e: {  	_ =	sdelay $0x2  }
0x7f: {  	s5 =	sshll.u32 s9, $0x10  }
0x80: {  	s2 =	sshll.u32 s9, $0x7  }
0x81: {  	s4 =	sshra.s32 s5, $0x2;
	s2 =	sand.u32 $0x380, s2  }
0x82: {  	s8 =	sadd.s32 s4, s3;
	s4 =	sadd.s32 s2, s0  }
0x83: {  	v0 =	vmov s8;
	v6 =	vld [tilespmem:s4+$0x70]  }
0x84: {  	v7 =	vld [tilespmem:s4+$0x0]  }
0x85: {  	v8 =	vld [tilespmem:s4+$0x10]  }
0x86: {  	v1 =	vld [tilespmem:s4+$0x20]  }
0x87: {  	s6 =	sadd.s32 $0xFFFFFC00, s7;
	s8 =	sand.u32 $0x3C00, s7;
	v2 =	vld [tilespmem:s4+$0x30]  }
0x88: {  	s2 =	sand.u32 $0x3C00, s6;
	v3 =	vld [tilespmem:s4+$0x40];
	[tilespmem:v0+s8+$0x70 ss:$0x1] =	vst.idx.msk $0xffff, v6  }
0x89: {  	v5 =	vld [tilespmem:s4+$0x50];
	[tilespmem:v0+s2+$0x0 ss:$0x1] =	vst.idx.msk $0xffff, v7  }
0x8a: {  	v4 =	vld [tilespmem:s4+$0x60];
	[tilespmem:v0+s2+$0x10 ss:$0x1] =	vst.idx.msk $0xffff, v8  }
0x8b: {  	[tilespmem:v0+s2+$0x20 ss:$0x1] =	vst.idx.msk $0xffff, v1  }
0x8c: {  	[tilespmem:v0+s2+$0x30 ss:$0x1] =	vst.idx.msk $0xffff, v2  }
0x8d: {  	p2 =	sgt.s32 s27, $0x100;
	[tilespmem:v0+s2+$0x40 ss:$0x1] =	vst.idx.msk $0xffff, v3  }
.Ltmp9:
0x8e: {  	[tilespmem:v0+s2+$0x50 ss:$0x1] =	vst.idx.msk $0xffff, v5;
	(pc) =	sbr.rel @!p2 .LBB1_8-.Ltmp9, $4  }
0x8f: {  	[tilespmem:v0+s2+$0x60 ss:$0x1] =	vst.idx.msk $0xffff, v4  }
0x90: {  	[tilespmem:v0+s2+$0x70 ss:$0x1] =	vst.idx.msk $0xffff, v6  }
0x91: {  	[tilespmem:v0+s8+$0x0 ss:$0x1] =	vst.idx.msk $0xffff, v7  }
0x92: {  	s31 =	smov.u32 s7;
	s2 =	simm.s32 $0x100;
	[tilespmem:v0+s8+$0x10 ss:$0x1] =	vst.idx.msk $0xffff, v8  }
.LBB1_7:
0x93: {  	v6 =	vld [tilespmem:s4+$0x70];
	s2 =	sadd.s32 $0x100, s2;
	[tilespmem:v0+s8+$0x20 ss:$0x1] =	vst.idx.msk $0xffff, v1  }
0x94: {  	v7 =	vld [tilespmem:s4+$0x0];
	p2 =	slt.s32 s2, s27;
	[tilespmem:v0+s8+$0x30 ss:$0x1] =	vst.idx.msk $0xffff, v2  }
0x95: {  	v8 =	vld [tilespmem:s4+$0x10];
	[tilespmem:v0+s8+$0x40 ss:$0x1] =	vst.idx.msk $0xffff, v3  }
0x96: {  	s31 =	sadd.s32 $0x800, s31;
	v1 =	vld [tilespmem:s4+$0x20];
	[tilespmem:v0+s8+$0x50 ss:$0x1] =	vst.idx.msk $0xffff, v5  }
0x97: {  	s6 =	sadd.s32 $0xFFFFFC00, s31;
	v2 =	vld [tilespmem:s4+$0x30];
	[tilespmem:v0+s8+$0x60 ss:$0x1] =	vst.idx.msk $0xffff, v4;
	s8 =	sand.u32 $0x3C00, s31  }
0x98: {  	s6 =	sand.u32 $0x3C00, s6;
	v3 =	vld [tilespmem:s4+$0x40];
	[tilespmem:v0+s8+$0x70 ss:$0x1] =	vst.idx.msk $0xffff, v6  }
0x99: {  	[tilespmem:v0+s6+$0x0 ss:$0x1] =	vst.idx.msk $0xffff, v7;
	v5 =	vld [tilespmem:s4+$0x50]  }
0x9a: {  	[tilespmem:v0+s6+$0x10 ss:$0x1] =	vst.idx.msk $0xffff, v8;
	v4 =	vld [tilespmem:s4+$0x60]  }
0x9b: {  	[tilespmem:v0+s6+$0x20 ss:$0x1] =	vst.idx.msk $0xffff, v1  }
0x9c: {  	[tilespmem:v0+s6+$0x30 ss:$0x1] =	vst.idx.msk $0xffff, v2  }
0x9d: {  	[tilespmem:v0+s6+$0x40 ss:$0x1] =	vst.idx.msk $0xffff, v3  }
.Ltmp10:
0x9e: {  	[tilespmem:v0+s6+$0x50 ss:$0x1] =	vst.idx.msk $0xffff, v5;
	(pc) =	sbr.rel @p2 .LBB1_7-.Ltmp10, $4  }
0x9f: {  	[tilespmem:v0+s6+$0x60 ss:$0x1] =	vst.idx.msk $0xffff, v4  }
0xa0: {  	[tilespmem:v0+s6+$0x70 ss:$0x1] =	vst.idx.msk $0xffff, v6  }
0xa1: {  	[tilespmem:v0+s8+$0x0 ss:$0x1] =	vst.idx.msk $0xffff, v7  }
0xa2: {  	[tilespmem:v0+s8+$0x10 ss:$0x1] =	vst.idx.msk $0xffff, v8  }
.LBB1_8:
0xa3: {  	_ =	sdelay $0x3  }
0xa4: {  	[tilespmem:v0+s8+$0x20 ss:$0x1] =	vst.idx.msk $0xffff, v1  }
0xa5: {  	[tilespmem:v0+s8+$0x30 ss:$0x1] =	vst.idx.msk $0xffff, v2  }
0xa6: {  	[tilespmem:v0+s8+$0x40 ss:$0x1] =	vst.idx.msk $0xffff, v3  }
0xa7: {  	[tilespmem:v0+s8+$0x50 ss:$0x1] =	vst.idx.msk $0xffff, v5  }
0xa8: {  	[tilespmem:v0+s8+$0x60 ss:$0x1] =	vst.idx.msk $0xffff, v4  }
.LBB1_9:
.Ltmp11:
0xa9: {  	(pc) =	sbr.rel @p1 .LBB1_12-.Ltmp11, $1  }
0xaa: {  	_ =	sdelay $0x3  }
0xab: {  	s2 =	sand.u32 $0x7, s9  }
0xac: {  	s2 =	sadd.s32 s30, s2  }
0xad: {  	s2 =	sshll.u32 s2, $0x9  }
0xae: {  	s2 =	sshra.s32 s2, $0x2  }
0xaf: {  	s4 =	sadd.s32 s2, s23  }
0xb0: {  	v0 =	vmov s4;
	_ =	sdelay $0x1  }
0xb1: {  	s31 =	sshra.s32 s5, $0x2  }
0xb2: {  	s5 =	smov.u32 s27;
	s2 =	sadd.s32 s31, s3;
	s4 =	smov.u32 s29  }
.LBB1_11:
0xb3: {  	s6 =	sand.u32 $0x70, s5;
	s5 =	sadd.s32 $0x10, s5  }
0xb4: {  	s8 =	sand.u32 $0x3C00, s4;
	v1 =	vld.idx.msk [tilespmem:v0+s6+$0x0 ss:$0x1], $0xffff;
	p2 =	slt.s32 s5, s26  }
.Ltmp12:
0xb5: {  	s8 =	sadd.s32 s1, s8;
	(pc) =	sbr.rel @p2 .LBB1_11-.Ltmp12, $4  }
0xb6: {  	s8 =	sand.u32 $0x3C00, s8  }
0xb7: {  	s8 =	sadd.s32 s8, s2  }
0xb8: {  	s6 =	sadd.s32 s6, s8  }
0xb9: {  	s4 =	sadd.s32 $0x80, s4;
	[tilespmem:s6+$0x0] =	vst v1  }
.Ltmp13:
0xba: {  	_ = 	snop;
	(pc) =	sbr.rel .LBB1_12-.Ltmp13, $1  }
0xbb: {  	_ =	sdelay $0x3  }
.LBB1_16:
0xbc: {  	_ =	sfence.sel $0x180000  }
0xbd: {  	s0 =	simm.s32 $0x1;
	[bflag:$0x0] =	sbarrier.arrive $0xFFFF  }
0xbe: {  	s30 =	simm.s32 $0x2;
	[sflag:s0] =	ssyncpa.u1 $0x1  }
0xbf: {  	[sflag:s30] =	ssyncpa.u1 $0x1  }
0xc0: {  	_ =	strace $0x90000047  }
0xc1: {  	s31 =	stileid.u32;
	[bflag:$0x2] =	sbarrier.arrive $0xFFFF  }
0xc2: {  	p0 =	sne.s32 s31, $0x0;
	s0 =	rddreg [dreg:$0x2]  }
0xc3: {  	s0 =	sadd.s32 @!p0 $0x100000, s0  }
0xc4: {  	[sflag:s0] =	ssyncadd.tile.s32 @!p0 $0x1;
	_ =	shalt  }
.Lfunc_end1:
_tile_overlayer_lowered:
.L_overlay_start_2:
0xc5: {  	(tag) =	ssettag $0x2  }
0xc6: {  	s0 =	rddreg [dreg:$0x0];
	s2 =	stileid.u32  }
0xc7: {  	s1 =	rddreg [dreg:$0x1];
	p0 =	sne.s32 s2, $0x0  }
0xc8: {  	s3 =	rddreg [dreg:$0x2];
	[bflag:$0x3] =	sbarrier.arrive $0xFFFF;
	s2 =	simm.s32 @!p0 $0x1C01  }
0xc9: {  	[timem:s3], [sflag:s2] =	dma.local @!p0 [hbm:s0], s1  }
0xca: {  	s0 =	simm.s32 @!p0 $0x1  }
0xcb: {  	_ =	swait.ge @!p0 [sflag:s0], s1  }
0xcc: {  	s1 =	ssub.s32 @!p0 $0x0, s1;
	[sflag:s0] =	ssyncset.done @!p0 $0x0  }
0xcd: {  	[sflag:s0] =	ssyncadd.s32 @!p0 s1  }
0xce: {  	[bflag:$0x3] =	sbarrier.arrive $0xFFFF  }
0xcf: {  	_ =	shalt  }

</sc_bundles>
